<compile_context>
chip_gen: v7x
topology: tpu7x:2x2x1
jax: 0.10.2.dev20260603
libtpu: 0.0.44.dev20260713+nightly
codegen_flags: <defaults>
</compile_context>

<pallas_src>
import functools
import jax
import jax.numpy as jnp
from jax import lax
from jax.experimental import pallas as pl
from jax.experimental.pallas import tpu as pltpu
from jax.experimental.pallas import tpu_sc as plsc

N = 50000
F_IN = 16
E = 40000
S = 10000
EO = 20000
G = 256

NPAD = 51200
SPAD = 10240
EP1 = 40960
EP2 = 20480

@functools.cache
def _sc_mesh():
    return plsc.VectorSubcoreMesh(
        core_axis_name="c", subcore_axis_name="s",
        num_cores=2, num_subcores=16)


@functools.partial(jax.jit, static_argnames=("rows_per_worker",))
def _sc_gather(tab, idx, rows_per_worker):
    ep, d = idx.shape[0], tab.shape[1]
    chunk = 128 if rows_per_worker % 128 == 0 else 64
    nchunks = rows_per_worker // chunk

    def body(tab_ref, idx_ref, out_ref, idx_all, rows_v0, rows_v1,
             gsem0, gsem1, wsem0, wsem1):
        wid = lax.axis_index("s") * 2 + lax.axis_index("c")
        base = wid * rows_per_worker
        rows = (rows_v0, rows_v1)
        gsem = (gsem0, gsem1)
        wsem = (wsem0, wsem1)
        pltpu.sync_copy(idx_ref.at[pl.ds(base, rows_per_worker)], idx_all)
        gd = [None, None]
        wd = [None, None]
        for c in range(nchunks):
            p = c % 2
            if c >= 2:
                wd[p].wait()
            gd[p] = pltpu.async_copy(
                tab_ref.at[idx_all.at[pl.ds(c * chunk, chunk)]],
                rows[p], gsem[p])
            if c >= 1:
                q = 1 - p
                gd[q].wait()
                wd[q] = pltpu.async_copy(
                    rows[q], out_ref.at[pl.ds(base + (c - 1) * chunk, chunk)],
                    wsem[q])
        lp = (nchunks - 1) % 2
        gd[lp].wait()
        wd[lp] = pltpu.async_copy(
            rows[lp], out_ref.at[pl.ds(base + (nchunks - 1) * chunk, chunk)],
            wsem[lp])
        if nchunks >= 2:
            wd[1 - lp].wait()
        wd[lp].wait()

    return pl.kernel(
        body,
        out_type=jax.ShapeDtypeStruct((ep, d), jnp.float32),
        mesh=_sc_mesh(),
        compiler_params=pltpu.CompilerParams(use_tc_tiling_on_sc=False),
        scratch_types=[
            pltpu.VMEM((rows_per_worker,), jnp.int32),
            pltpu.VMEM((chunk, d), jnp.float32),
            pltpu.VMEM((chunk, d), jnp.float32),
            pltpu.SemaphoreType.DMA,
            pltpu.SemaphoreType.DMA,
            pltpu.SemaphoreType.DMA,
            pltpu.SemaphoreType.DMA,
        ],
    )(tab, idx)


@functools.partial(jax.jit, static_argnames=("tpad", "with_counts"))
def _sc_scatter_add(vals, idx, tpad, with_counts):
    rp, d = vals.shape
    t2 = tpad // 2
    acc_rows = ((t2 + 1 + 127) // 128) * 128
    nzc = acc_rows // 128
    zc_per_tile = (nzc + 15) // 16
    rows_per_tile = rp // 16
    in_chunks = rows_per_tile // 128
    out_rows_per_tile = t2 // 16

    def body(vals_ref, idx_ref, zero_ref, z16_ref, one_ref, *refs):
        if with_counts:
            (out_ref, cnt_ref, idx_v0, idx_v1, rows_v0, rows_v1,
             zero_v, z16_v, ones_v,
             isem0, isem1, vsem0, vsem1, ssem0, ssem1, csem0, csem1,
             acc, accc) = refs
            csem = (csem0, csem1)
        else:
            (out_ref, idx_v0, idx_v1, rows_v0, rows_v1, zero_v,
             isem0, isem1, vsem0, vsem1, ssem0, ssem1, acc) = refs
        idx_v = (idx_v0, idx_v1)
        rows_v = (rows_v0, rows_v1)
        isem = (isem0, isem1)
        vsem = (vsem0, vsem1)
        ssem = (ssem0, ssem1)
        c = lax.axis_index("c")
        sid = lax.axis_index("s")
        base_t = c * t2

        pltpu.sync_copy(zero_ref, zero_v)
        if with_counts:
            pltpu.sync_copy(one_ref, ones_v)
            pltpu.sync_copy(z16_ref, z16_v)

        def zstep(j, carry):
            ch = sid * zc_per_tile + j

            @pl.when(ch < nzc)
            def _():
                pltpu.sync_copy(zero_v, acc.at[pl.ds(ch * 128, 128)])
                if with_counts:
                    pltpu.sync_copy(z16_v, accc.at[pl.ds(ch * 128, 128)])
            return carry

        lax.fori_loop(0, zc_per_tile, zstep, 0, unroll=False)
        plsc.subcore_barrier()

        dI = [None, None]
        dV = [None, None]
        dS = [None, None]
        dC = [None, None]
        for c in range(in_chunks):
            p = c % 2
            if c >= 2:
                dS[p].wait()
                if with_counts:
                    dC[p].wait()
            off = sid * rows_per_tile + c * 128
            dI[p] = pltpu.async_copy(idx_ref.at[pl.ds(off, 128)],
                                     idx_v[p], isem[p])
            dV[p] = pltpu.async_copy(vals_ref.at[pl.ds(off, 128)],
                                     rows_v[p], vsem[p])
            dI[p].wait()
            for j in range(8):
                v = idx_v[p][pl.ds(j * 16, 16)]
                loc = v - base_t
                bad = (loc < 0) | (loc >= t2)
                idx_v[p][pl.ds(j * 16, 16)] = jnp.where(bad, t2, loc)
            dV[p].wait()
            dS[p] = pltpu.async_copy(rows_v[p], acc.at[idx_v[p]],
                                     ssem[p], add=True)
            if with_counts:
                dC[p] = pltpu.async_copy(ones_v, accc.at[idx_v[p]],
                                         csem[p], add=True)
        for p in (0, 1):
            if dS[p] is not None:
                dS[p].wait()
            if with_counts and dC[p] is not None:
                dC[p].wait()
        plsc.subcore_barrier()

        ob = sid * out_rows_per_tile
        pltpu.sync_copy(acc.at[pl.ds(ob, out_rows_per_tile)],
                        out_ref.at[pl.ds(base_t + ob, out_rows_per_tile)])
        if with_counts:
            pltpu.sync_copy(accc.at[pl.ds(ob, out_rows_per_tile)],
                            cnt_ref.at[pl.ds(base_t + ob, out_rows_per_tile)])

    out_type = [jax.ShapeDtypeStruct((tpad, d), jnp.float32)]
    scratch = [
        pltpu.VMEM((128,), jnp.int32),
        pltpu.VMEM((128,), jnp.int32),
        pltpu.VMEM((128, d), jnp.float32),
        pltpu.VMEM((128, d), jnp.float32),
        pltpu.VMEM((128, d), jnp.float32),
    ]
    if with_counts:
        out_type.append(jax.ShapeDtypeStruct((tpad, 16), jnp.float32))
        scratch.append(pltpu.VMEM((128, 16), jnp.float32))
        scratch.append(pltpu.VMEM((128, 16), jnp.float32))
        scratch.extend([pltpu.SemaphoreType.DMA] * 8)
        scratch.append(pltpu.VMEM_SHARED((acc_rows, d), jnp.float32))
        scratch.append(pltpu.VMEM_SHARED((acc_rows, 16), jnp.float32))
    else:
        scratch.extend([pltpu.SemaphoreType.DMA] * 6)
        scratch.append(pltpu.VMEM_SHARED((acc_rows, d), jnp.float32))

    zeros = jnp.zeros((128, d), jnp.float32)
    zeros16 = jnp.zeros((128, 16), jnp.float32)
    ones = jnp.ones((128, 16), jnp.float32)
    res = pl.kernel(
        body,
        out_type=tuple(out_type),
        mesh=_sc_mesh(),
        compiler_params=pltpu.CompilerParams(use_tc_tiling_on_sc=False),
        scratch_types=scratch,
    )(vals, idx, zeros, zeros16, ones)
    return res if with_counts else res[0]


def _make_msg_body(i_dim, o_dim):
    def body(xj_ref, ea_ref, w1_ref, b1_ref, w2_ref, b2_ref, out_ref):
        xj = xj_ref[...]
        h = jnp.maximum(
            jnp.dot(ea_ref[...], w1_ref[...],
                    preferred_element_type=jnp.float32) + b1_ref[...], 0.0)
        W = jnp.dot(h, w2_ref[...],
                    preferred_element_type=jnp.float32) + b2_ref[...]
        blk = xj.shape[0]
        xjr = xj.astype(jnp.bfloat16).astype(jnp.float32)
        Wr = W.astype(jnp.bfloat16).astype(jnp.float32)
        acc = jnp.zeros((blk, 128), jnp.float32)
        for i in range(i_dim):
            acc = acc + xjr[:, i:i + 1] * Wr[:, i * 128:(i + 1) * 128]
        out_ref[...] = acc[:, :o_dim]
    return body


@functools.partial(jax.jit, static_argnames=("blk", "o"))
def _tc_msg(xj, ea8, w18, b1, w2p, b2p, blk, o):
    ep, i = xj.shape
    grid = ep // blk
    return pl.pallas_call(
        _make_msg_body(i, o),
        grid=(grid,),
        in_specs=[
            pl.BlockSpec((blk, i), lambda b: (b, 0)),
            pl.BlockSpec((blk, 8), lambda b: (b, 0)),
            pl.BlockSpec((8, 128), lambda b: (0, 0)),
            pl.BlockSpec((1, 128), lambda b: (0, 0)),
            pl.BlockSpec((128, i * 128), lambda b: (0, 0)),
            pl.BlockSpec((1, i * 128), lambda b: (0, 0)),
        ],
        out_specs=pl.BlockSpec((blk, o), lambda b: (b, 0)),
        out_shape=jax.ShapeDtypeStruct((ep, o), jnp.float32),
    )(xj, ea8, w18, b1, w2p, b2p)


def _elu(z):
    return jnp.where(z > 0.0, z, jnp.exp(jnp.minimum(z, 0.0)) - 1.0)


def _combine2_body(a1_ref, a2_ref, x_ref, root_ref, bias_ref, out_ref):
    z = (a1_ref[...] + a2_ref[...]
         + jnp.dot(x_ref[...], root_ref[...],
                   preferred_element_type=jnp.float32) + bias_ref[...])
    out_ref[...] = _elu(z)


@functools.partial(jax.jit, static_argnames=("blk",))
def _tc_combine2(a1, a2, x, root, bias2, blk):
    npad, o = a1.shape
    i = x.shape[1]
    return pl.pallas_call(
        _combine2_body,
        grid=(npad // blk,),
        in_specs=[
            pl.BlockSpec((blk, o), lambda b: (b, 0)),
            pl.BlockSpec((blk, o), lambda b: (b, 0)),
            pl.BlockSpec((blk, i), lambda b: (b, 0)),
            pl.BlockSpec((i, o), lambda b: (0, 0)),
            pl.BlockSpec((1, o), lambda b: (0, 0)),
        ],
        out_specs=pl.BlockSpec((blk, o), lambda b: (b, 0)),
        out_shape=jax.ShapeDtypeStruct((npad, o), jnp.float32),
    )(a1, a2, x, root, bias2)


def _combine_body(agg_ref, x_ref, root_ref, bias_ref, out_ref):
    z = (agg_ref[...]
         + jnp.dot(x_ref[...], root_ref[...],
                   preferred_element_type=jnp.float32) + bias_ref[...])
    out_ref[...] = _elu(z)


@functools.partial(jax.jit, static_argnames=("blk",))
def _tc_combine(agg, x, root, bias2, blk):
    npad, o = agg.shape
    i = x.shape[1]
    return pl.pallas_call(
        _combine_body,
        grid=(npad // blk,),
        in_specs=[
            pl.BlockSpec((blk, o), lambda b: (b, 0)),
            pl.BlockSpec((blk, i), lambda b: (b, 0)),
            pl.BlockSpec((i, o), lambda b: (0, 0)),
            pl.BlockSpec((1, o), lambda b: (0, 0)),
        ],
        out_specs=pl.BlockSpec((blk, o), lambda b: (b, 0)),
        out_shape=jax.ShapeDtypeStruct((npad, o), jnp.float32),
    )(agg, x, root, bias2)


def _div_body(s_ref, c_ref, out_ref):
    cnt = jnp.maximum(c_ref[:, 0:1], 1.0)
    out_ref[...] = s_ref[...] / cnt


@jax.jit
def _tc_divide(sums, counts):
    spad, d = sums.shape
    blk = 1024
    return pl.pallas_call(
        _div_body,
        grid=(spad // blk,),
        in_specs=[
            pl.BlockSpec((blk, d), lambda b: (b, 0)),
            pl.BlockSpec((blk, 16), lambda b: (b, 0)),
        ],
        out_specs=pl.BlockSpec((blk, d), lambda b: (b, 0)),
        out_shape=jax.ShapeDtypeStruct((spad, d), jnp.float32),
    )(sums, counts)


def _head_body(seg_ref, x_ref, f1w_ref, f1b_ref, f2w_ref, f2b_ref,
               f3w_ref, f3b_ref, out_ref, acc_s, acc_c):
    pid = pl.program_id(0)
    nsteps = pl.num_programs(0)

    @pl.when(pid == 0)
    def _():
        acc_s[...] = jnp.zeros_like(acc_s)
        acc_c[...] = jnp.zeros_like(acc_c)

    seg = seg_ref[0, 0, :]
    blk = seg.shape[0]
    seg2 = jnp.broadcast_to(seg[None, :], (G, blk))
    gids = lax.broadcasted_iota(jnp.int32, (G, blk), 0)
    oh = (seg2 == gids).astype(jnp.float32)
    xb = x_ref[...]
    acc_s[...] += jnp.dot(oh, xb, preferred_element_type=jnp.float32,
                          precision=lax.Precision.HIGHEST)
    acc_c[...] += jnp.dot(oh, jnp.ones_like(xb),
                          preferred_element_type=jnp.float32)

    @pl.when(pid == nsteps - 1)
    def _():
        mean = acc_s[...] / jnp.maximum(acc_c[...], 1.0)
        z1 = _elu(jnp.dot(mean, f1w_ref[...],
                          preferred_element_type=jnp.float32) + f1b_ref[...])
        z2 = _elu(jnp.dot(z1, f2w_ref[...],
                          preferred_element_type=jnp.float32) + f2b_ref[...])
        out_ref[...] = (jnp.dot(z2, f3w_ref[...],
                                preferred_element_type=jnp.float32)
                        + f3b_ref[...])


@jax.jit
def _tc_head(seg3, x2, f1w, f1b, f2w, f2b, f3w8, f3b8):
    blk = 1024
    nblk = seg3.shape[0]
    return pl.pallas_call(
        _head_body,
        grid=(nblk,),
        in_specs=[
            pl.BlockSpec((1, 1, blk), lambda b: (b, 0, 0)),
            pl.BlockSpec((blk, 64), lambda b: (b, 0)),
            pl.BlockSpec((64, 32), lambda b: (0, 0)),
            pl.BlockSpec((1, 32), lambda b: (0, 0)),
            pl.BlockSpec((32, 16), lambda b: (0, 0)),
            pl.BlockSpec((1, 16), lambda b: (0, 0)),
            pl.BlockSpec((16, 8), lambda b: (0, 0)),
            pl.BlockSpec((1, 8), lambda b: (0, 0)),
        ],
        out_specs=pl.BlockSpec((G, 8), lambda b: (0, 0)),
        out_shape=jax.ShapeDtypeStruct((G, 8), jnp.float32),
        scratch_shapes=[
            pltpu.VMEM((G, 64), jnp.float32),
            pltpu.VMEM((G, 64), jnp.float32),
        ],
    )(seg3, x2, f1w, f1b, f2w, f2b, f3w8, f3b8)


def _nnconv_layer(x, src, dst, ea8, w1, b1, w2, b2, root, bias, tpad, blk):
    i, o = root.shape
    w18 = jnp.zeros((8, 128), jnp.float32).at[:5].set(w1)
    b1r = b1.reshape(1, 128)
    w2p = jnp.zeros((128, i, 128), jnp.float32)
    w2p = w2p.at[:, :, :o].set(w2.reshape(128, i, o)).reshape(128, i * 128)
    b2p = jnp.zeros((i, 128), jnp.float32)
    b2p = b2p.at[:, :o].set(b2.reshape(i, o)).reshape(1, i * 128)
    ep = src.shape[0]
    half = ep // 2
    aggs = []
    for lo in (0, half):
        srch = lax.slice_in_dim(src, lo, lo + half)
        dsth = lax.slice_in_dim(dst, lo, lo + half)
        eah = lax.slice_in_dim(ea8, lo, lo + half)
        xjh = _sc_gather(x, srch, half // 32)
        msgh = _tc_msg(xjh, eah, w18, b1r, w2p, b2p, blk, o)
        aggs.append(_sc_scatter_add(msgh, dsth, tpad, False))
    return _tc_combine2(aggs[0], aggs[1], x, root, bias.reshape(1, o), 512)


def kernel(x, edge_index, edge_attr, node_to_subgraph, original_edge_index,
           original_edge_attr, subgraph_to_graph,
           sub0_nw1, sub0_nb1, sub0_nw2, sub0_nb2, sub0_root, sub0_bias,
           sub1_nw1, sub1_nb1, sub1_nw2, sub1_nb2, sub1_root, sub1_bias,
           sub2_nw1, sub2_nb1, sub2_nw2, sub2_nb2, sub2_root, sub2_bias,
           gl0_nw1, gl0_nb1, gl0_nw2, gl0_nb2, gl0_root, gl0_bias,
           gl1_nw1, gl1_nb1, gl1_nw2, gl1_nb2, gl1_root, gl1_bias,
           fc1_w, fc1_b, fc2_w, fc2_b, fc3_w, fc3_b):
    f32 = jnp.float32
    x = x.astype(f32)

    src = jnp.pad(edge_index[0].astype(jnp.int32), (0, EP1 - E))
    dst = jnp.pad(edge_index[1].astype(jnp.int32), (0, EP1 - E),
                  constant_values=NPAD)
    ea8 = jnp.zeros((EP1, 8), f32).at[:E, :5].set(edge_attr)
    osrc = jnp.pad(original_edge_index[0].astype(jnp.int32), (0, EP2 - EO))
    odst = jnp.pad(original_edge_index[1].astype(jnp.int32), (0, EP2 - EO),
                   constant_values=SPAD)
    oea8 = jnp.zeros((EP2, 8), f32).at[:EO, :5].set(original_edge_attr)
    n2s = jnp.pad(node_to_subgraph.astype(jnp.int32), (0, NPAD - N),
                  constant_values=SPAD)
    s2g = jnp.pad(subgraph_to_graph.astype(jnp.int32), (0, SPAD - S),
                  constant_values=G)

    xp = jnp.zeros((NPAD, F_IN), f32).at[:N].set(x)

    subs = [
        (sub0_nw1, sub0_nb1, sub0_nw2, sub0_nb2, sub0_root, sub0_bias),
        (sub1_nw1, sub1_nb1, sub1_nw2, sub1_nb2, sub1_root, sub1_bias),
        (sub2_nw1, sub2_nb1, sub2_nw2, sub2_nb2, sub2_root, sub2_bias),
    ]
    h = xp
    for (w1, b1, w2, b2, root, bias) in subs:
        h = _nnconv_layer(h, src, dst, ea8, w1, b1, w2, b2, root, bias,
                          NPAD, 256)

    sums, counts = _sc_scatter_add(h, n2s, SPAD, True)
    p = _tc_divide(sums, counts)

    for (w1, b1, w2, b2, root, bias) in [
            (gl0_nw1, gl0_nb1, gl0_nw2, gl0_nb2, gl0_root, gl0_bias),
            (gl1_nw1, gl1_nb1, gl1_nw2, gl1_nb2, gl1_root, gl1_bias)]:
        p = _nnconv_layer(p, osrc, odst, oea8, w1, b1, w2, b2, root, bias,
                          SPAD, 256)

    seg3 = s2g.reshape(SPAD // 1024, 1, 1024)
    f3w8 = jnp.zeros((16, 8), f32).at[:, 0:1].set(fc3_w)
    f3b8 = jnp.zeros((1, 8), f32).at[0, 0].set(fc3_b[0])
    out8 = _tc_head(seg3, p, fc1_w, fc1_b.reshape(1, 32),
                    fc2_w, fc2_b.reshape(1, 16), f3w8, f3b8)
    return out8[:, 0]

# --- scband reference (transcript-rebuilt; emitter-appended) ---
"""Pipeline reference for scband-k1-gnn-subconv-7842610283387 (READ-ONLY COPY).

The authoritative reference and input builder live on the scoring server;
editing this copy changes nothing except your own understanding.
"""

import jax, jax.numpy as jnp
import numpy as np

N = 50000
F_IN = 16
E = 40000
S = 10000
EO = 20000
G = 256
EA = 5
SUB_DIMS = [(16, 32), (32, 64), (64, 64)]
GLOB_DIMS = [(64, 64), (64, 64)]
PNAMES = ["nw1", "nb1", "nw2", "nb2", "root", "bias"]


def _lin(key, fan_in, fan_out):
    w = jax.random.normal(key, (fan_in, fan_out), jnp.float32) * (1.0 / np.sqrt(fan_in))
    b = jnp.zeros((fan_out,), jnp.float32)
    return w, b


def _nnconv_params(key, i, o):
    k = jax.random.split(key, 3)
    w1, b1 = _lin(k[0], EA, 128)
    w2, b2 = _lin(k[1], 128, i * o)
    root = jax.random.normal(k[2], (i, o), jnp.float32) * (1.0 / np.sqrt(i))
    bias = jnp.zeros((o,), jnp.float32)
    return w1, b1, w2, b2, root, bias


def setup_inputs(seed=0):
    key = jax.random.key(seed)
    ks = jax.random.split(key, 20)
    inp = {}
    inp["x"] = jax.random.normal(ks[0], (N, F_IN), jnp.float32)
    inp["edge_index"] = jax.random.randint(ks[1], (2, E), 0, N)
    inp["edge_attr"] = jax.random.uniform(ks[2], (E, EA), jnp.float32)
    inp["node_to_subgraph"] = jnp.sort(jax.random.randint(ks[3], (N,), 0, S))
    inp["original_edge_index"] = jax.random.randint(ks[4], (2, EO), 0, S)
    inp["original_edge_attr"] = jax.random.uniform(ks[5], (EO, EA), jnp.float32)
    inp["subgraph_to_graph"] = jnp.sort(jax.random.randint(ks[6], (S,), 0, G))
    for l, (i, o) in enumerate(SUB_DIMS):
        p = _nnconv_params(ks[7 + l], i, o)
        for nm, v in zip(PNAMES, p):
            inp["sub%d_%s" % (l, nm)] = v
    for l, (i, o) in enumerate(GLOB_DIMS):
        p = _nnconv_params(ks[11 + l], i, o)
        for nm, v in zip(PNAMES, p):
            inp["gl%d_%s" % (l, nm)] = v
    inp["fc1_w"], inp["fc1_b"] = _lin(ks[14], 64, 32)
    inp["fc2_w"], inp["fc2_b"] = _lin(ks[15], 32, 16)
    inp["fc3_w"], inp["fc3_b"] = _lin(ks[16], 16, 1)
    return inp


def _nnconv(x, ei, ea, w1, b1, w2, b2, root, bias):
    # edge-conditioned conv (PyG NNConv, aggr='add', root_weight=True)
    h = jax.nn.relu(ea @ w1 + b1)
    W = (h @ w2 + b2).reshape(ea.shape[0], x.shape[1], root.shape[1])
    x_j = x[ei[0]]
    msg = jnp.einsum("ei,eio->eo", x_j, W)
    agg = jax.ops.segment_sum(msg, ei[1], num_segments=x.shape[0])
    return agg + x @ root + bias


def _mean_pool(x, seg, n):
    s = jax.ops.segment_sum(x, seg, num_segments=n)
    c = jax.ops.segment_sum(jnp.ones((x.shape[0], 1), x.dtype), seg, num_segments=n)
    return s / jnp.maximum(c, 1.0)


def reference(
    x,
    edge_index,
    edge_attr,
    node_to_subgraph,
    original_edge_index,
    original_edge_attr,
    subgraph_to_graph,
    sub0_nw1,
    sub0_nb1,
    sub0_nw2,
    sub0_nb2,
    sub0_root,
    sub0_bias,
    sub1_nw1,
    sub1_nb1,
    sub1_nw2,
    sub1_nb2,
    sub1_root,
    sub1_bias,
    sub2_nw1,
    sub2_nb1,
    sub2_nw2,
    sub2_nb2,
    sub2_root,
    sub2_bias,
    gl0_nw1,
    gl0_nb1,
    gl0_nw2,
    gl0_nb2,
    gl0_root,
    gl0_bias,
    gl1_nw1,
    gl1_nb1,
    gl1_nw2,
    gl1_nb2,
    gl1_root,
    gl1_bias,
    fc1_w,
    fc1_b,
    fc2_w,
    fc2_b,
    fc3_w,
    fc3_b,
):
    kw = dict(locals())
    x = kw["x"]
    ei = kw["edge_index"]
    ea = kw["edge_attr"]
    for l in range(len(SUB_DIMS)):
        p = [kw["sub%d_%s" % (l, nm)] for nm in PNAMES]
        x = jax.nn.elu(_nnconv(x, ei, ea, *p))
    x = _mean_pool(x, kw["node_to_subgraph"], S)
    oei = kw["original_edge_index"]
    oea = kw["original_edge_attr"]
    for l in range(len(GLOB_DIMS)):
        p = [kw["gl%d_%s" % (l, nm)] for nm in PNAMES]
        x = jax.nn.elu(_nnconv(x, oei, oea, *p))
    x = _mean_pool(x, kw["subgraph_to_graph"], G)
    x = jax.nn.elu(x @ kw["fc1_w"] + kw["fc1_b"])
    x = jax.nn.elu(x @ kw["fc2_w"] + kw["fc2_b"])
    x = x @ kw["fc3_w"] + kw["fc3_b"]
    return x.reshape(-1)

if __name__ == "__main__":
    import jax
    _d = setup_inputs()
    print(jax.jit(kernel)(*tuple(_d.values())))

</pallas_src>

<mosaic_0001>
#map = affine_map<(d0, d1) -> (0, 0)>
#map1 = affine_map<(d0, d1) -> (0)>
module attributes {stable_mosaic.version = 14 : i64} {
  func.func @body(%arg0: i32, %arg1: i32, %arg2: memref<51200x16xf32, #tpu.memory_space<hbm>>, %arg3: memref<20480xi32, #tpu.memory_space<hbm>>, %arg4: memref<20480x16xf32, #tpu.memory_space<hbm>>, %arg5: memref<640xi32, #tpu.memory_space<vmem>>, %arg6: memref<128x16xf32, #tpu.memory_space<vmem>>, %arg7: memref<128x16xf32, #tpu.memory_space<vmem>>, %arg8: memref<!tpu.dma_semaphore, #tpu.memory_space<semaphore_mem>>, %arg9: memref<!tpu.dma_semaphore, #tpu.memory_space<semaphore_mem>>, %arg10: memref<!tpu.dma_semaphore, #tpu.memory_space<semaphore_mem>>, %arg11: memref<!tpu.dma_semaphore, #tpu.memory_space<semaphore_mem>>) attributes {dimension_semantics = [#tpu.dimension_semantics<core_parallel>, #tpu.dimension_semantics<subcore_parallel>], iteration_bounds = array<i64: 2, 16>, scalar_prefetch = 0 : i64, scratch_operands = 7 : i64, tpu.core_type = #tpu.core_type<sc_vector_subcore>, window_params = [{transform_indices = #map}, {transform_indices = #map1}, {transform_indices = #map}]} {
    %mul3A = arith.constant 2 : i32
    %mul3A_0 = arith.muli %arg1, %mul3A : i32
    %add3A = arith.addi %mul3A_0, %arg0 : i32
    %mul3A_1 = arith.constant 640 : i32
    %mul3A_2 = arith.muli %add3A, %mul3A_1 : i32
    "tpu.region"() ({
      %run_scoped3A = tpu.sem_alloc : memref<!tpu.dma_semaphore, #tpu.memory_space<semaphore_mem>>
      %dma_start3A_101 = tpu.memref_slice %arg3[%mul3A_2] : memref<20480xi32, #tpu.memory_space<hbm>> -> memref<640xi32, #tpu.memory_space<hbm>>
      %dma_start3A_102 = tpu.memref_slice %arg3[%mul3A_2] : memref<20480xi32, #tpu.memory_space<hbm>> -> memref<640xi32, #tpu.memory_space<hbm>>
      tpu.enqueue_dma source(%dma_start3A_102 : memref<640xi32, #tpu.memory_space<hbm>>) target(%arg5 : memref<640xi32, #tpu.memory_space<vmem>>) target_semaphore(%run_scoped3A : memref<!tpu.dma_semaphore, #tpu.memory_space<semaphore_mem>>)
      %dma_wait3A_103 = tpu.memref_slice %arg3[%mul3A_2] : memref<20480xi32, #tpu.memory_space<hbm>> -> memref<640xi32, #tpu.memory_space<hbm>>
      %dma_wait3A_104 = tpu.memref_slice %arg3[%mul3A_2] : memref<20480xi32, #tpu.memory_space<hbm>> -> memref<640xi32, #tpu.memory_space<hbm>>
      tpu.wait_dma2 semaphore(%run_scoped3A : memref<!tpu.dma_semaphore, #tpu.memory_space<semaphore_mem>>) src(%dma_wait3A_104 : memref<640xi32, #tpu.memory_space<hbm>>) dst(%arg5 : memref<640xi32, #tpu.memory_space<vmem>>)
      tpu.yield
    }) : () -> ()
    %dma_start3A = arith.constant 0 : i32
    %dma_start3A_3 = tpu.memref_slice %arg5[%dma_start3A] : memref<640xi32, #tpu.memory_space<vmem>> -> memref<128xi32, #tpu.memory_space<vmem>>
    %dma_start3A_4 = arith.constant 0 : i32
    %dma_start3A_5 = arith.constant 0 : i32
    %dma_start3A_6 = tpu.memref_slice %arg2[%dma_start3A_4, %dma_start3A_5] : memref<51200x16xf32, #tpu.memory_space<hbm>> -> memref<51200x16xf32, #tpu.memory_space<hbm>>
    tpu.enqueue_indirect_dma source(%dma_start3A_6 : memref<51200x16xf32, #tpu.memory_space<hbm>>) target(%arg6 : memref<128x16xf32, #tpu.memory_space<vmem>>) offsets(%dma_start3A_3 : memref<128xi32, #tpu.memory_space<vmem>>) semaphore(%arg8 : memref<!tpu.dma_semaphore, #tpu.memory_space<semaphore_mem>>)
    %dma_start3A_7 = arith.constant 128 : i32
    %dma_start3A_8 = tpu.memref_slice %arg5[%dma_start3A_7] : memref<640xi32, #tpu.memory_space<vmem>> -> memref<128xi32, #tpu.memory_space<vmem>>
    %dma_start3A_9 = arith.constant 0 : i32
    %dma_start3A_10 = arith.constant 0 : i32
    %dma_start3A_11 = tpu.memref_slice %arg2[%dma_start3A_9, %dma_start3A_10] : memref<51200x16xf32, #tpu.memory_space<hbm>> -> memref<51200x16xf32, #tpu.memory_space<hbm>>
    tpu.enqueue_indirect_dma source(%dma_start3A_11 : memref<51200x16xf32, #tpu.memory_space<hbm>>) target(%arg7 : memref<128x16xf32, #tpu.memory_space<vmem>>) offsets(%dma_start3A_8 : memref<128xi32, #tpu.memory_space<vmem>>) semaphore(%arg9 : memref<!tpu.dma_semaphore, #tpu.memory_space<semaphore_mem>>)
    %dma_wait3A = arith.constant 0 : i32
    %dma_wait3A_12 = tpu.memref_slice %arg5[%dma_wait3A] : memref<640xi32, #tpu.memory_space<vmem>> -> memref<128xi32, #tpu.memory_space<vmem>>
    %dma_wait3A_13 = arith.constant 0 : i32
    %dma_wait3A_14 = arith.constant 0 : i32
    %dma_wait3A_15 = tpu.memref_slice %arg2[%dma_wait3A_13, %dma_wait3A_14] : memref<51200x16xf32, #tpu.memory_space<hbm>> -> memref<51200x16xf32, #tpu.memory_space<hbm>>
    tpu.wait_indirect_dma semaphore(%arg8 : memref<!tpu.dma_semaphore, #tpu.memory_space<semaphore_mem>>) src(%dma_wait3A_15 : memref<51200x16xf32, #tpu.memory_space<hbm>>) dst(%arg6 : memref<128x16xf32, #tpu.memory_space<vmem>>)
    %add3A_16 = arith.constant 0 : i32
    %add3A_17 = arith.addi %mul3A_2, %add3A_16 : i32
    %dma_start3A_18 = arith.constant 0 : i32
    %dma_start3A_19 = tpu.memref_slice %arg4[%add3A_17, %dma_start3A_18] : memref<20480x16xf32, #tpu.memory_space<hbm>> -> memref<128x16xf32, #tpu.memory_space<hbm>>
    %dma_start3A_20 = arith.constant 0 : i32
    %dma_start3A_21 = tpu.memref_slice %arg4[%add3A_17, %dma_start3A_20] : memref<20480x16xf32, #tpu.memory_space<hbm>> -> memref<128x16xf32, #tpu.memory_space<hbm>>
    tpu.enqueue_dma source(%arg6 : memref<128x16xf32, #tpu.memory_space<vmem>>) target(%dma_start3A_21 : memref<128x16xf32, #tpu.memory_space<hbm>>) target_semaphore(%arg10 : memref<!tpu.dma_semaphore, #tpu.memory_space<semaphore_mem>>)
    %dma_wait3A_22 = arith.constant 0 : i32
    %dma_wait3A_23 = tpu.memref_slice %arg4[%add3A_17, %dma_wait3A_22] : memref<20480x16xf32, #tpu.memory_space<hbm>> -> memref<128x16xf32, #tpu.memory_space<hbm>>
    %dma_wait3A_24 = arith.constant 0 : i32
    %dma_wait3A_25 = tpu.memref_slice %arg4[%add3A_17, %dma_wait3A_24] : memref<20480x16xf32, #tpu.memory_space<hbm>> -> memref<128x16xf32, #tpu.memory_space<hbm>>
    tpu.wait_dma2 semaphore(%arg10 : memref<!tpu.dma_semaphore, #tpu.memory_space<semaphore_mem>>) src(%arg6 : memref<128x16xf32, #tpu.memory_space<vmem>>) dst(%dma_wait3A_25 : memref<128x16xf32, #tpu.memory_space<hbm>>)
    %dma_start3A_26 = arith.constant 256 : i32
    %dma_start3A_27 = tpu.memref_slice %arg5[%dma_start3A_26] : memref<640xi32, #tpu.memory_space<vmem>> -> memref<128xi32, #tpu.memory_space<vmem>>
    %dma_start3A_28 = arith.constant 0 : i32
    %dma_start3A_29 = arith.constant 0 : i32
    %dma_start3A_30 = tpu.memref_slice %arg2[%dma_start3A_28, %dma_start3A_29] : memref<51200x16xf32, #tpu.memory_space<hbm>> -> memref<51200x16xf32, #tpu.memory_space<hbm>>
    tpu.enqueue_indirect_dma source(%dma_start3A_30 : memref<51200x16xf32, #tpu.memory_space<hbm>>) target(%arg6 : memref<128x16xf32, #tpu.memory_space<vmem>>) offsets(%dma_start3A_27 : memref<128xi32, #tpu.memory_space<vmem>>) semaphore(%arg8 : memref<!tpu.dma_semaphore, #tpu.memory_space<semaphore_mem>>)
    %dma_wait3A_31 = arith.constant 128 : i32
    %dma_wait3A_32 = tpu.memref_slice %arg5[%dma_wait3A_31] : memref<640xi32, #tpu.memory_space<vmem>> -> memref<128xi32, #tpu.memory_space<vmem>>
    %dma_wait3A_33 = arith.constant 0 : i32
    %dma_wait3A_34 = arith.constant 0 : i32
    %dma_wait3A_35 = tpu.memref_slice %arg2[%dma_wait3A_33, %dma_wait3A_34] : memref<51200x16xf32, #tpu.memory_space<hbm>> -> memref<51200x16xf32, #tpu.memory_space<hbm>>
    tpu.wait_indirect_dma semaphore(%arg9 : memref<!tpu.dma_semaphore, #tpu.memory_space<semaphore_mem>>) src(%dma_wait3A_35 : memref<51200x16xf32, #tpu.memory_space<hbm>>) dst(%arg7 : memref<128x16xf32, #tpu.memory_space<vmem>>)
    %add3A_36 = arith.constant 128 : i32
    %add3A_37 = arith.addi %mul3A_2, %add3A_36 : i32
    %dma_start3A_38 = arith.constant 0 : i32
    %dma_start3A_39 = tpu.memref_slice %arg4[%add3A_37, %dma_start3A_38] : memref<20480x16xf32, #tpu.memory_space<hbm>> -> memref<128x16xf32, #tpu.memory_space<hbm>>
    %dma_start3A_40 = arith.constant 0 : i32
    %dma_start3A_41 = tpu.memref_slice %arg4[%add3A_37, %dma_start3A_40] : memref<20480x16xf32, #tpu.memory_space<hbm>> -> memref<128x16xf32, #tpu.memory_space<hbm>>
    tpu.enqueue_dma source(%arg7 : memref<128x16xf32, #tpu.memory_space<vmem>>) target(%dma_start3A_41 : memref<128x16xf32, #tpu.memory_space<hbm>>) target_semaphore(%arg11 : memref<!tpu.dma_semaphore, #tpu.memory_space<semaphore_mem>>)
    %dma_wait3A_42 = arith.constant 0 : i32
    %dma_wait3A_43 = tpu.memref_slice %arg4[%add3A_37, %dma_wait3A_42] : memref<20480x16xf32, #tpu.memory_space<hbm>> -> memref<128x16xf32, #tpu.memory_space<hbm>>
    %dma_wait3A_44 = arith.constant 0 : i32
    %dma_wait3A_45 = tpu.memref_slice %arg4[%add3A_37, %dma_wait3A_44] : memref<20480x16xf32, #tpu.memory_space<hbm>> -> memref<128x16xf32, #tpu.memory_space<hbm>>
    tpu.wait_dma2 semaphore(%arg11 : memref<!tpu.dma_semaphore, #tpu.memory_space<semaphore_mem>>) src(%arg7 : memref<128x16xf32, #tpu.memory_space<vmem>>) dst(%dma_wait3A_45 : memref<128x16xf32, #tpu.memory_space<hbm>>)
    %dma_start3A_46 = arith.constant 384 : i32
    %dma_start3A_47 = tpu.memref_slice %arg5[%dma_start3A_46] : memref<640xi32, #tpu.memory_space<vmem>> -> memref<128xi32, #tpu.memory_space<vmem>>
    %dma_start3A_48 = arith.constant 0 : i32
    %dma_start3A_49 = arith.constant 0 : i32
    %dma_start3A_50 = tpu.memref_slice %arg2[%dma_start3A_48, %dma_start3A_49] : memref<51200x16xf32, #tpu.memory_space<hbm>> -> memref<51200x16xf32, #tpu.memory_space<hbm>>
    tpu.enqueue_indirect_dma source(%dma_start3A_50 : memref<51200x16xf32, #tpu.memory_space<hbm>>) target(%arg7 : memref<128x16xf32, #tpu.memory_space<vmem>>) offsets(%dma_start3A_47 : memref<128xi32, #tpu.memory_space<vmem>>) semaphore(%arg9 : memref<!tpu.dma_semaphore, #tpu.memory_space<semaphore_mem>>)
    %dma_wait3A_51 = arith.constant 256 : i32
    %dma_wait3A_52 = tpu.memref_slice %arg5[%dma_wait3A_51] : memref<640xi32, #tpu.memory_space<vmem>> -> memref<128xi32, #tpu.memory_space<vmem>>
    %dma_wait3A_53 = arith.constant 0 : i32
    %dma_wait3A_54 = arith.constant 0 : i32
    %dma_wait3A_55 = tpu.memref_slice %arg2[%dma_wait3A_53, %dma_wait3A_54] : memref<51200x16xf32, #tpu.memory_space<hbm>> -> memref<51200x16xf32, #tpu.memory_space<hbm>>
    tpu.wait_indirect_dma semaphore(%arg8 : memref<!tpu.dma_semaphore, #tpu.memory_space<semaphore_mem>>) src(%dma_wait3A_55 : memref<51200x16xf32, #tpu.memory_space<hbm>>) dst(%arg6 : memref<128x16xf32, #tpu.memory_space<vmem>>)
    %add3A_56 = arith.constant 256 : i32
    %add3A_57 = arith.addi %mul3A_2, %add3A_56 : i32
    %dma_start3A_58 = arith.constant 0 : i32
    %dma_start3A_59 = tpu.memref_slice %arg4[%add3A_57, %dma_start3A_58] : memref<20480x16xf32, #tpu.memory_space<hbm>> -> memref<128x16xf32, #tpu.memory_space<hbm>>
    %dma_start3A_60 = arith.constant 0 : i32
    %dma_start3A_61 = tpu.memref_slice %arg4[%add3A_57, %dma_start3A_60] : memref<20480x16xf32, #tpu.memory_space<hbm>> -> memref<128x16xf32, #tpu.memory_space<hbm>>
    tpu.enqueue_dma source(%arg6 : memref<128x16xf32, #tpu.memory_space<vmem>>) target(%dma_start3A_61 : memref<128x16xf32, #tpu.memory_space<hbm>>) target_semaphore(%arg10 : memref<!tpu.dma_semaphore, #tpu.memory_space<semaphore_mem>>)
    %dma_wait3A_62 = arith.constant 0 : i32
    %dma_wait3A_63 = tpu.memref_slice %arg4[%add3A_57, %dma_wait3A_62] : memref<20480x16xf32, #tpu.memory_space<hbm>> -> memref<128x16xf32, #tpu.memory_space<hbm>>
    %dma_wait3A_64 = arith.constant 0 : i32
    %dma_wait3A_65 = tpu.memref_slice %arg4[%add3A_57, %dma_wait3A_64] : memref<20480x16xf32, #tpu.memory_space<hbm>> -> memref<128x16xf32, #tpu.memory_space<hbm>>
    tpu.wait_dma2 semaphore(%arg10 : memref<!tpu.dma_semaphore, #tpu.memory_space<semaphore_mem>>) src(%arg6 : memref<128x16xf32, #tpu.memory_space<vmem>>) dst(%dma_wait3A_65 : memref<128x16xf32, #tpu.memory_space<hbm>>)
    %dma_start3A_66 = arith.constant 512 : i32
    %dma_start3A_67 = tpu.memref_slice %arg5[%dma_start3A_66] : memref<640xi32, #tpu.memory_space<vmem>> -> memref<128xi32, #tpu.memory_space<vmem>>
    %dma_start3A_68 = arith.constant 0 : i32
    %dma_start3A_69 = arith.constant 0 : i32
    %dma_start3A_70 = tpu.memref_slice %arg2[%dma_start3A_68, %dma_start3A_69] : memref<51200x16xf32, #tpu.memory_space<hbm>> -> memref<51200x16xf32, #tpu.memory_space<hbm>>
    tpu.enqueue_indirect_dma source(%dma_start3A_70 : memref<51200x16xf32, #tpu.memory_space<hbm>>) target(%arg6 : memref<128x16xf32, #tpu.memory_space<vmem>>) offsets(%dma_start3A_67 : memref<128xi32, #tpu.memory_space<vmem>>) semaphore(%arg8 : memref<!tpu.dma_semaphore, #tpu.memory_space<semaphore_mem>>)
    %dma_wait3A_71 = arith.constant 384 : i32
    %dma_wait3A_72 = tpu.memref_slice %arg5[%dma_wait3A_71] : memref<640xi32, #tpu.memory_space<vmem>> -> memref<128xi32, #tpu.memory_space<vmem>>
    %dma_wait3A_73 = arith.constant 0 : i32
    %dma_wait3A_74 = arith.constant 0 : i32
    %dma_wait3A_75 = tpu.memref_slice %arg2[%dma_wait3A_73, %dma_wait3A_74] : memref<51200x16xf32, #tpu.memory_space<hbm>> -> memref<51200x16xf32, #tpu.memory_space<hbm>>
    tpu.wait_indirect_dma semaphore(%arg9 : memref<!tpu.dma_semaphore, #tpu.memory_space<semaphore_mem>>) src(%dma_wait3A_75 : memref<51200x16xf32, #tpu.memory_space<hbm>>) dst(%arg7 : memref<128x16xf32, #tpu.memory_space<vmem>>)
    %add3A_76 = arith.constant 384 : i32
    %add3A_77 = arith.addi %mul3A_2, %add3A_76 : i32
    %dma_start3A_78 = arith.constant 0 : i32
    %dma_start3A_79 = tpu.memref_slice %arg4[%add3A_77, %dma_start3A_78] : memref<20480x16xf32, #tpu.memory_space<hbm>> -> memref<128x16xf32, #tpu.memory_space<hbm>>
    %dma_start3A_80 = arith.constant 0 : i32
    %dma_start3A_81 = tpu.memref_slice %arg4[%add3A_77, %dma_start3A_80] : memref<20480x16xf32, #tpu.memory_space<hbm>> -> memref<128x16xf32, #tpu.memory_space<hbm>>
    tpu.enqueue_dma source(%arg7 : memref<128x16xf32, #tpu.memory_space<vmem>>) target(%dma_start3A_81 : memref<128x16xf32, #tpu.memory_space<hbm>>) target_semaphore(%arg11 : memref<!tpu.dma_semaphore, #tpu.memory_space<semaphore_mem>>)
    %dma_wait3A_82 = arith.constant 512 : i32
    %dma_wait3A_83 = tpu.memref_slice %arg5[%dma_wait3A_82] : memref<640xi32, #tpu.memory_space<vmem>> -> memref<128xi32, #tpu.memory_space<vmem>>
    %dma_wait3A_84 = arith.constant 0 : i32
    %dma_wait3A_85 = arith.constant 0 : i32
    %dma_wait3A_86 = tpu.memref_slice %arg2[%dma_wait3A_84, %dma_wait3A_85] : memref<51200x16xf32, #tpu.memory_space<hbm>> -> memref<51200x16xf32, #tpu.memory_space<hbm>>
    tpu.wait_indirect_dma semaphore(%arg8 : memref<!tpu.dma_semaphore, #tpu.memory_space<semaphore_mem>>) src(%dma_wait3A_86 : memref<51200x16xf32, #tpu.memory_space<hbm>>) dst(%arg6 : memref<128x16xf32, #tpu.memory_space<vmem>>)
    %add3A_87 = arith.constant 512 : i32
    %add3A_88 = arith.addi %mul3A_2, %add3A_87 : i32
    %dma_start3A_89 = arith.constant 0 : i32
    %dma_start3A_90 = tpu.memref_slice %arg4[%add3A_88, %dma_start3A_89] : memref<20480x16xf32, #tpu.memory_space<hbm>> -> memref<128x16xf32, #tpu.memory_space<hbm>>
    %dma_start3A_91 = arith.constant 0 : i32
    %dma_start3A_92 = tpu.memref_slice %arg4[%add3A_88, %dma_start3A_91] : memref<20480x16xf32, #tpu.memory_space<hbm>> -> memref<128x16xf32, #tpu.memory_space<hbm>>
    tpu.enqueue_dma source(%arg6 : memref<128x16xf32, #tpu.memory_space<vmem>>) target(%dma_start3A_92 : memref<128x16xf32, #tpu.memory_space<hbm>>) target_semaphore(%arg10 : memref<!tpu.dma_semaphore, #tpu.memory_space<semaphore_mem>>)
    %dma_wait3A_93 = arith.constant 0 : i32
    %dma_wait3A_94 = tpu.memref_slice %arg4[%add3A_77, %dma_wait3A_93] : memref<20480x16xf32, #tpu.memory_space<hbm>> -> memref<128x16xf32, #tpu.memory_space<hbm>>
    %dma_wait3A_95 = arith.constant 0 : i32
    %dma_wait3A_96 = tpu.memref_slice %arg4[%add3A_77, %dma_wait3A_95] : memref<20480x16xf32, #tpu.memory_space<hbm>> -> memref<128x16xf32, #tpu.memory_space<hbm>>
    tpu.wait_dma2 semaphore(%arg11 : memref<!tpu.dma_semaphore, #tpu.memory_space<semaphore_mem>>) src(%arg7 : memref<128x16xf32, #tpu.memory_space<vmem>>) dst(%dma_wait3A_96 : memref<128x16xf32, #tpu.memory_space<hbm>>)
    %dma_wait3A_97 = arith.constant 0 : i32
    %dma_wait3A_98 = tpu.memref_slice %arg4[%add3A_88, %dma_wait3A_97] : memref<20480x16xf32, #tpu.memory_space<hbm>> -> memref<128x16xf32, #tpu.memory_space<hbm>>
    %dma_wait3A_99 = arith.constant 0 : i32
    %dma_wait3A_100 = tpu.memref_slice %arg4[%add3A_88, %dma_wait3A_99] : memref<20480x16xf32, #tpu.memory_space<hbm>> -> memref<128x16xf32, #tpu.memory_space<hbm>>
    tpu.wait_dma2 semaphore(%arg10 : memref<!tpu.dma_semaphore, #tpu.memory_space<semaphore_mem>>) src(%arg6 : memref<128x16xf32, #tpu.memory_space<vmem>>) dst(%dma_wait3A_100 : memref<128x16xf32, #tpu.memory_space<hbm>>)
    return
  }
}

</mosaic_0001>

<sc_bundles>
// kernel: _sc_gather.3.cloned.1.call-start
scs
__scs_entry_jumppad:
0x0: {  	(pc) =	sbr.rel $0x88, $3  }
0x1: {  	(tag) =	ssettag $0x0;
	lr =	simm.s32 $0x1  }
0x2: {  	[smem:$0x3F9F] =	sst lr;
	_ =	strace $0xD0000000  }
0x3: {  	_ = 	snop  }
0x4: {  	_ = 	snop  }
0x5: {  	_ = 	snop  }
0x6: {  	_ = 	snop  }
0x7: {  	_ = 	snop  }
__scs_overlays_trampoline_lowered:
0x8: {  	[smem:$0x3FAE] =	sst s0  }
0x9: {  	[smem:$0x3FAF] =	sst s1  }
0xa: {  	[smem:$0x3FB0] =	sst s2  }
0xb: {  	[smem:$0x3FB1] =	sst s3  }
0xc: {  	[smem:$0x3FB2] =	sst s4  }
0xd: {  	[smem:$0x3FB3] =	sst s5  }
0xe: {  	[smem:$0x3FB4] =	sst s6  }
0xf: {  	[smem:$0x3FB5] =	sst s7  }
0x10: {  	[smem:$0x3FB6] =	sst s8  }
0x11: {  	[smem:$0x3FB7] =	sst s9;
	s0 =	simm.s32 @!p0 $0x0  }
0x12: {  	s1 =	sld [smem:$0x3F9D];
	s0 =	simm.s32 @p0 $0x1  }
0x13: {  	[smem:$0x3FB8] =	sst s0;
	s0 =	simm.s32 @!p1 $0x0  }
0x14: {  	s2 =	sld [smem:$0x3F9C];
	s0 =	simm.s32 @p1 $0x1  }
0x15: {  	[smem:$0x3FB9] =	sst s0;
	s0 =	simm.s32 @!p2 $0x0  }
0x16: {  	s3 =	sld [smem:$0x3FDB];
	s0 =	simm.s32 @p2 $0x1  }
0x17: {  	s4 =	simm.s32 $0x1BF5;
	[smem:$0x3FBB] =	sst s0  }
0x18: {  	s0 =	sld [smem:$0x3F9E];
	_ =	swait.ge [sflag:s4], $0x0  }
0x19: {  	s7 =	sld [smem:$0x3F9F]  }
0x1a: {  	s8 =	sadd.s32 $0xFFFFE003, lr  }
0x1b: {  	s9 =	sadd.s32 $0xFFFFFEF7, lr;
	s5 =	simm.s32 $0xFFFFFFFF;
	p2 =	slt.u32 s8, $0xFFFFF086  }
0x1c: {  	p1 =	slt.u32 s9, $0xF7A;
	s5 =	simm.s32 @!p2 $0x0  }
0x1d: {  	s5 =	simm.s32 @p1 $0x1;
	p0 =	seq.s32 s7, s2  }
0x1e: {  	s7 =	smul.u32 @!p0 $0xF7A, s2;
	p2 =	seq.s32 @!p0 s5, $0x0  }
0x1f: {  	s9 =	smul.u32 $0xF7A, s1;
	s8 =	simm.s32 @!p0 $0x1BF5;
	p2 =	por !p2, p0  }
0x20: {  	[sflag:s8] =	ssyncset.s32 @!p0 $0xFFFFF086;
	s6 =	sadd.s32 @!p0 s3, s7;
	s7 =	simm.s32 @!p0 $0x108  }
0x21: {  	s3 =	sadd.s32 s3, s9;
	s6 =	sadd.s32 @!p0 $0x88, s6;
	s7 =	simm.s32 @p2 $0x1082  }
0x22: {  	[simem:s7], [sflag:s8] =	dma.local @!p0 [hbm:s6], $0xF7A  }
0x23: {  	s9 =	sor.u32 $0xD0000000, s2;
	s6 =	simm.s32 $0x108;
	_ =	swait.ge @!p0 [sflag:s8], $0x0  }
0x24: {  	s3 =	sadd.s32 $0x88, s3;
	s6 =	simm.s32 @!p1 $0x1082;
	[sflag:s4] =	ssyncset.s32 $0xFFFFF086  }
0x25: {  	[simem:s6], [sflag:s4] =	dma.local [hbm:s3], $0xF7A  }
0x26: {  	[smem:$0x3F9F] =	sst s1;
	(tag) =	ssettag s2;
	_ =	strace s9  }
0x27: {  	s1 =	sld [smem:$0x3FAF]  }
0x28: {  	s2 =	sld [smem:$0x3FB0]  }
0x29: {  	s4 =	sld [smem:$0x3FB2]  }
0x2a: {  	p0 =	seq.s32 s5, $0x0;
	s5 =	sld [smem:$0x3FB3]  }
0x2b: {  	s6 =	sld [smem:$0x3FB4]  }
0x2c: {  	s7 =	sld [smem:$0x3FB5]  }
0x2d: {  	s3 =	simm.s32 $0x108;
	s8 =	sld [smem:$0x3FB6]  }
0x2e: {  	s3 =	simm.s32 @!p0 $0x1082;
	s9 =	sld [smem:$0x3FB7]  }
0x2f: {  	lr =	sadd.s32 s0, s3;
	s0 =	sld [smem:$0x3FAE]  }
0x30: {  	s3 =	sld [smem:$0x3FB1]  }
0x31: {  	[smem:$0x3FBA] =	sst s10  }
0x32: {  	s10 =	sld [smem:$0x3FB8];
	_ =	sdelay $0x3  }
0x33: {  	p0 =	seq.s32 s10, $0x1;
	s10 =	sld [smem:$0x3FBA];
	_ =	sdelay $0x3  }
0x34: {  	[smem:$0x3FBA] =	sst s10  }
0x35: {  	s10 =	sld [smem:$0x3FB9];
	_ =	sdelay $0x3  }
0x36: {  	p1 =	seq.s32 s10, $0x1;
	s10 =	sld [smem:$0x3FBA];
	_ =	sdelay $0x3  }
0x37: {  	[smem:$0x3FBA] =	sst s10  }
0x38: {  	s10 =	sld [smem:$0x3FBB]  }
0x39: {  	_ = 	snop;
	(pc) =	sbr.ind lr, $3  }
0x3a: {  	_ = 	snop  }
0x3b: {  	_ = 	snop  }
0x3c: {  	p2 =	seq.s32 s10, $0x1;
	s10 =	sld [smem:$0x3FBA]  }
0x3d: {  	_ =	shalt  }
0x3e: {  	_ =	shalt  }
0x3f: {  	_ =	shalt  }
0x40: {  	_ =	shalt  }
0x41: {  	_ =	shalt  }
0x42: {  	_ =	shalt  }
0x43: {  	_ =	shalt  }
0x44: {  	_ =	shalt  }
0x45: {  	_ =	shalt  }
0x46: {  	_ =	shalt  }
0x47: {  	_ =	shalt  }
0x48: {  	_ =	shalt  }
0x49: {  	_ =	shalt  }
0x4a: {  	_ =	shalt  }
0x4b: {  	_ =	shalt  }
0x4c: {  	_ =	shalt  }
0x4d: {  	_ =	shalt  }
0x4e: {  	_ =	shalt  }
0x4f: {  	_ =	shalt  }
0x50: {  	_ =	shalt  }
0x51: {  	_ =	shalt  }
0x52: {  	_ =	shalt  }
0x53: {  	_ =	shalt  }
0x54: {  	_ =	shalt  }
0x55: {  	_ =	shalt  }
0x56: {  	_ =	shalt  }
0x57: {  	_ =	shalt  }
0x58: {  	_ =	shalt  }
0x59: {  	_ =	shalt  }
0x5a: {  	_ =	shalt  }
0x5b: {  	_ =	shalt  }
0x5c: {  	_ =	shalt  }
0x5d: {  	_ =	shalt  }
0x5e: {  	_ =	shalt  }
0x5f: {  	_ =	shalt  }
0x60: {  	_ =	shalt  }
0x61: {  	_ =	shalt  }
0x62: {  	_ =	shalt  }
0x63: {  	_ =	shalt  }
0x64: {  	_ =	shalt  }
0x65: {  	_ =	shalt  }
0x66: {  	_ =	shalt  }
0x67: {  	_ =	shalt  }
0x68: {  	_ =	shalt  }
0x69: {  	_ =	shalt  }
0x6a: {  	_ =	shalt  }
0x6b: {  	_ =	shalt  }
0x6c: {  	_ =	shalt  }
0x6d: {  	_ =	shalt  }
0x6e: {  	_ =	shalt  }
0x6f: {  	_ =	shalt  }
0x70: {  	_ =	shalt  }
0x71: {  	_ =	shalt  }
0x72: {  	_ =	shalt  }
0x73: {  	_ =	shalt  }
0x74: {  	_ =	shalt  }
0x75: {  	_ =	shalt  }
0x76: {  	_ =	shalt  }
0x77: {  	_ =	shalt  }
0x78: {  	_ =	shalt  }
0x79: {  	_ =	shalt  }
0x7a: {  	_ =	shalt  }
0x7b: {  	_ =	shalt  }
0x7c: {  	_ =	shalt  }
0x7d: {  	_ =	shalt  }
0x7e: {  	_ =	shalt  }
0x7f: {  	_ =	shalt  }
0x80: {  	_ =	shalt  }
0x81: {  	_ =	shalt  }
0x82: {  	_ =	shalt  }
0x83: {  	_ =	shalt  }
0x84: {  	_ =	shalt  }
0x85: {  	_ =	shalt  }
0x86: {  	_ =	shalt  }
0x87: {  	_ =	shalt  }
.Lfunc_end0:
.L_simem_size_0:
called_computation_lowered:
.L_overlay_start_0:
0x88: {  	s2 =	sld [smem:$0x3FD9]  }
0x89: {  	s3 =	sld [smem:$0x3FFE];
	_ =	sdelay $0x1  }
0x8a: {  	s1 =	srdreg.scid  }
0x8b: {  	s0 =	sand.u32 $0x1, s1  }
0x8c: {  	s17 =	sshll.u32 s0, $0xA;
	s2 =	sadd.s32 s3, s2  }
0x8d: {  	s2 =	sadd.s32 s2, s17  }
0x8e: {  	[smem:$0x3FC6] =	sst s2  }
0x8f: {  	_ = 	snop  }
0x90: {  	s2 =	sld [smem:$0x3FC8]  }
0x91: {  	s18 =	sld [smem:$0x3FD0];
	(tm) =	ssettm $0x1  }
0x92: {  	s4 =	sld [smem:$0x3FFB];
	_ =	sdelay $0x3  }
0x93: {  	_ =	strace s4  }
0x94: {  	s4 =	sld [smem:$0x3FFC];
	_ =	sdelay $0x3  }
0x95: {  	_ =	strace s4  }
0x96: {  	s4 =	sld [smem:$0x3FFD];
	_ =	sdelay $0x3  }
0x97: {  	_ =	strace s4  }
0x98: {  	_ =	strace $0x8FFFFFFF  }
0x99: {  	s19 =	sld [smem:$0x3FDB];
	_ =	sdelay $0x1  }
0x9a: {  	s5 =	simm.s32 $_scs_section_size  }
0x9b: {  	s6 =	simm.s32 $_size__tile_overlayer_lowered;
	s7 =	simm.s32 $_tile_overlayer_lowered  }
0x9c: {  	s22 =	simm.s32 $0x1BFF;
	s21 =	sshll.u32 s7, $0x1;
	s4 =	sadd.s32 s5, s19  }
0x9d: {  	s8 =	simm.s32 $0x0;
	s20 =	sshll.u32 s6, $0x1;
	s6 =	sadd.s32 s21, s4  }
0x9e: {  	[timem:s8], [sflag:s22] =	dma.local [hbm:s6], s20  }
0x9f: {  	_ =	swait.ge [sflag:s22], s20  }
0xa0: {  	s5 =	ssub.s32 $0x0, s20;
	[sflag:s22] =	ssyncset.done $0x0  }
0xa1: {  	[sflag:s22] =	ssyncadd.s32 s5;
	_ =	sdelay $0x1  }
0xa2: {  	s23 =	simm.s32 $0x1B8B  }
0xa3: {  	_ =	swait.ge [sflag:s23], $0x1  }
0xa4: {  	[sflag:s23] =	ssyncset.done $0x0  }
0xa5: {  	s25 =	simm.s32 $0x1B8E;
	s24 =	sld [smem:$0x3FFE];
	[sflag:s23] =	ssyncadd.s32 $0xFFFFFFFF  }
0xa6: {  	s26 =	simm.s32 $execute0_lowered;
	[smem:$0x3FD2] =	sst s25  }
0xa7: {  	s6 =	sshll.u32 s26, $0x1;
	_ =	strace $0x80000046;
	[dreg:$0x1] =	wrdreg $0xFFFFFFFF  }
0xa8: {  	s28 =	simm.s32 $_size_execute0_lowered;
	s4 =	sadd.s32 s4, s6;
	[dreg:$0x0] =	wrdreg $0x0  }
0xa9: {  	s6 =	sshll.u32 s28, $0x1;
	[dreg:$0x2] =	wrdreg s4  }
0xaa: {  	[dreg:$0x3] =	wrdreg s6  }
0xab: {  	[dreg:$0x4] =	wrdreg $0xC0  }
0xac: {  	_ =	task [dreg:s8], $0x5FFFF  }
0xad: {  	[dreg:$0x1] =	wrdreg $0xFFFFFFFF  }
0xae: {  	[dreg:$0x0] =	wrdreg $0x60  }
0xaf: {  	[dreg:$0x2] =	wrdreg s24  }
0xb0: {  	[dreg:$0x3] =	wrdreg s2  }
0xb1: {  	[dreg:$0x4] =	wrdreg s18  }
0xb2: {  	[dreg:$0x5] =	wrdreg $0x9  }
0xb3: {  	_ =	task.clear_ibuf [dreg:s8], $0x6FFFF;
	_ =	strace $0x90000046  }
0xb4: {  	s29 =	simm.s32 $0x9;
	_ =	strace $0x80000048  }
0xb5: {  	_ =	swait.ge [sflag:s29], $0x1  }
0xb6: {  	[sflag:s29] =	ssyncadd.s32 $0xFFFFFFFF  }
0xb7: {  	_ =	strace $0x90000048  }
0xb8: {  	_ =	sfence  }
0xb9: {  	s30 =	sld [smem:$0x0];
	_ =	sdelay $0x2  }
0xba: {  	s31 =	sshll.u32 s1, $0xD;
	s1 =	sshrl.u32 s1, $0x2  }
0xbb: {  	s3 =	sand.u32 $0x4000, s31;
	s1 =	sadd.s32 s1, s30  }
0xbc: {  	s0 =	sor.u32 s3, s0;
	s1 =	sshll.u32 s1, $0x11  }
0xbd: {  	s0 =	sor.u32 s1, s0  }
0xbe: {  	s0 =	sadd.s32 $0x8F2B, s0  }
0xbf: {  	[sflag:s0] =	ssyncadd.remote.s32 $0x1  }
0xc0: {  	_ =	sfence.sel $0xFFFF  }
0xc1: {  	[dreg:$0x0] =	wrdreg $0xFFFFFFFF;
	(pc) =	sbr.abs _section_cstart, $3  }
0xc2: {  	[dreg:$0x1] =	wrdreg $0xFFFFFFFF  }
0xc3: {  	_ =	task.clear_ibuf [dreg:s8], $0x2FFFF;
	_ =	strace $0x9FFFFFFF  }
0xc4: {  	(tm) =	ssettm $0x7FFFFFFF  }
0xc5: {  	_ =	shalt  }
tec
execute0_lowered:
.L_overlay_start_1:
0x0: {  	(tag) =	ssettag $0x1  }
0x1: {  	s5 =	rddreg [dreg:$0x0]  }
0x2: {  	s1 =	srdreg.scid;
	s0 =	stileid.u32  }
0x3: {  	s3 =	rddreg [dreg:$0x1];
	s20 =	sand.u32 $0x1, s1;
	s30 =	sshll.u32 s0, $0x1  }
0x4: {  	s14 =	rddreg [dreg:$0x2];
	s12 =	sor.u32 s20, s30  }
0x5: {  	s2 =	simm.s32 $0x0;
	s1 =	rddreg [dreg:$0x3];
	s4 =	smul.u32 $0x50, s12  }
0x6: {  	[smem:$0x7FF] =	sst s2  }
0x7: {  	_ =	strace $0x80000047;
	s3 =	sadd.s32 s3, s4;
	s4 =	simm.s32 $0x5  }
0x8: {  	[tilespmem:s2], [sflag:$0x5] =	stream.linear.gather [hbm4b:s3+s2], $0x280, $0x38;
	[tilespmem:$0x1280] =	vst v63  }
0x9: {  	_ =	swait.ge [sflag:s4], $0x280  }
0xa: {  	s6 =	simm.s32 $0x80;
	[sflag:s4] =	ssyncset.done $0x0  }
0xb: {  	s7 =	simm.s32 $0x280;
	s5 =	sadd.s32 $0x400, s5;
	[sflag:s4] =	ssyncadd.s32 $0xFFFFFD80  }
0xc: {  	[tilespmem:s7], [sflag:$0x1] =	stream.indirect.gather [hbm4b:s5+s6], $0x10, s2, s6, $0xb8;
	[tilespmem:$0x1280] =	vst v63  }
0xd: {  	s8 =	simm.s32 $0xA80;
	s9 =	simm.s32 $0x1  }
0xe: {  	[tilespmem:s8], [sflag:$0x2] =	stream.indirect.gather [hbm4b:s5+s6], $0x10, s6, s6, $0xb8;
	[tilespmem:$0x1280] =	vst v63  }
0xf: {  	s10 =	smul.u32 $0x500, s12;
	_ =	swait.ge [sflag:s9], $0x800  }
0x10: {  	[sflag:s9] =	ssyncset.done $0x0  }
0x11: {  	s11 =	sadd.s32 s14, s10;
	s10 =	simm.s32 $0x3;
	[sflag:s9] =	ssyncadd.s32 $0xFFFFF800  }
0x12: {  	[hbm4b:s11+s2] =	stream.linear.scatter [tilespmem:s7], [sflag:$0x3], $0x800, $0x38;
	[tilespmem:$0x1280] =	vst v63  }
0x13: {  	_ =	swait.ge [sflag:s10], $0x800  }
0x14: {  	s13 =	simm.s32 $0x2;
	[sflag:s10] =	ssyncset.done $0x0  }
0x15: {  	s15 =	smul.u32 $0x2800, s12;
	s12 =	simm.s32 $0x100;
	[sflag:s10] =	ssyncadd.s32 $0xFFFFF800  }
0x16: {  	[tilespmem:s7], [sflag:$0x1] =	stream.indirect.gather [hbm4b:s5+s6], $0x10, s12, s6, $0xb8;
	[tilespmem:$0x1280] =	vst v63  }
0x17: {  	s15 =	sshrl.u32 s15, $0x3;
	_ =	swait.ge [sflag:s13], $0x800  }
0x18: {  	s21 =	sadd.s32 s14, s15;
	[sflag:s13] =	ssyncset.done $0x0  }
0x19: {  	s15 =	simm.s32 $0x4;
	s14 =	sadd.s32 $0x100, s21;
	[sflag:s13] =	ssyncadd.s32 $0xFFFFF800  }
0x1a: {  	[hbm4b:s14+s2] =	stream.linear.scatter [tilespmem:s8], [sflag:$0x4], $0x800, $0x38;
	[tilespmem:$0x1280] =	vst v63  }
0x1b: {  	_ =	swait.ge [sflag:s15], $0x800  }
0x1c: {  	[sflag:s15] =	ssyncset.done $0x0  }
0x1d: {  	s16 =	simm.s32 $0x180;
	[sflag:s15] =	ssyncadd.s32 $0xFFFFF800  }
0x1e: {  	[tilespmem:s8], [sflag:$0x2] =	stream.indirect.gather [hbm4b:s5+s6], $0x10, s16, s6, $0xb8;
	[tilespmem:$0x1280] =	vst v63  }
0x1f: {  	_ =	swait.ge [sflag:s9], $0x800  }
0x20: {  	[sflag:s9] =	ssyncset.done $0x0  }
0x21: {  	s17 =	sadd.s32 $0x200, s21;
	[sflag:s9] =	ssyncadd.s32 $0xFFFFF800  }
0x22: {  	[hbm4b:s17+s2] =	stream.linear.scatter [tilespmem:s7], [sflag:$0x3], $0x800, $0x38;
	[tilespmem:$0x1280] =	vst v63  }
0x23: {  	_ =	swait.ge [sflag:s10], $0x800  }
0x24: {  	[sflag:s10] =	ssyncset.done $0x0  }
0x25: {  	s18 =	simm.s32 $0x200;
	[sflag:s10] =	ssyncadd.s32 $0xFFFFF800  }
0x26: {  	[tilespmem:s7], [sflag:$0x1] =	stream.indirect.gather [hbm4b:s5+s6], $0x10, s18, s6, $0xb8;
	[tilespmem:$0x1280] =	vst v63  }
0x27: {  	_ =	swait.ge [sflag:s13], $0x800  }
0x28: {  	s22 =	ssub.s32 $0x2, s20;
	[sflag:s13] =	ssyncset.done $0x0  }
0x29: {  	s31 =	sshrl.u32 s22, $0x1;
	s19 =	sadd.s32 $0x300, s21;
	[sflag:s13] =	ssyncadd.s32 $0xFFFFF800  }
0x2a: {  	[hbm4b:s19+s2] =	stream.linear.scatter [tilespmem:s8], [sflag:$0x4], $0x800, $0x38;
	[tilespmem:$0x1280] =	vst v63  }
0x2b: {  	s20 =	sadd.s32 $0x400, s21;
	s21 =	ssub.s32 s22, s31;
	_ =	swait.ge [sflag:s9], $0x800  }
0x2c: {  	s21 =	smax.u32 s21, $0x1;
	[sflag:s9] =	ssyncset.done $0x0  }
0x2d: {  	p0 =	sne.s32 s21, $0x1;
	[sflag:s9] =	ssyncadd.s32 $0xFFFFF800  }
0x2e: {  	[hbm4b:s20+s2] =	stream.linear.scatter [tilespmem:s7], [sflag:$0x3], $0x800, $0x38;
	[tilespmem:$0x1280] =	vst v63  }
.Ltmp0:
0x2f: {  	_ =	swait.ge [sflag:s15], $0x800;
	(pc) =	sbr.rel @!p0 .LBB2_2-.Ltmp0, $4  }
0x30: {  	[sflag:s15] =	ssyncset.done $0x0  }
0x31: {  	[sflag:s15] =	ssyncadd.s32 $0xFFFFF800  }
0x32: {  	_ =	swait.ge [sflag:s10], $0x800  }
0x33: {  	s21 =	sadd.s32 $0xFFFFFFFF, s21;
	[sflag:s10] =	ssyncset.done $0x0  }
.LBB2_1:
0x34: {  	p0 =	sne.s32 s21, $0x1;
	s21 =	sadd.s32 $0xFFFFFFFF, s21;
	[sflag:s10] =	ssyncadd.s32 $0xFFFFF800  }
0x35: {  	[tilespmem:s2], [sflag:$0x5] =	stream.linear.gather [hbm4b:s3+s2], $0x280, $0x38;
	[tilespmem:$0x1280] =	vst v63  }
0x36: {  	_ =	swait.ge [sflag:s4], $0x280  }
0x37: {  	[sflag:s4] =	ssyncset.done $0x0  }
0x38: {  	[sflag:s4] =	ssyncadd.s32 $0xFFFFFD80  }
0x39: {  	[tilespmem:s7], [sflag:$0x1] =	stream.indirect.gather [hbm4b:s5+s6], $0x10, s2, s6, $0xb8;
	[tilespmem:$0x1280] =	vst v63  }
0x3a: {  	_ = 	snop  }
0x3b: {  	[tilespmem:s8], [sflag:$0x2] =	stream.indirect.gather [hbm4b:s5+s6], $0x10, s6, s6, $0xb8;
	[tilespmem:$0x1280] =	vst v63  }
0x3c: {  	_ =	swait.ge [sflag:s9], $0x800  }
0x3d: {  	[sflag:s9] =	ssyncset.done $0x0  }
0x3e: {  	[sflag:s9] =	ssyncadd.s32 $0xFFFFF800  }
0x3f: {  	[hbm4b:s11+s2] =	stream.linear.scatter [tilespmem:s7], [sflag:$0x3], $0x800, $0x38;
	[tilespmem:$0x1280] =	vst v63  }
0x40: {  	_ =	swait.ge [sflag:s10], $0x800  }
0x41: {  	[sflag:s10] =	ssyncset.done $0x0  }
0x42: {  	[sflag:s10] =	ssyncadd.s32 $0xFFFFF800  }
0x43: {  	[tilespmem:s7], [sflag:$0x1] =	stream.indirect.gather [hbm4b:s5+s6], $0x10, s12, s6, $0xb8;
	[tilespmem:$0x1280] =	vst v63  }
0x44: {  	_ =	swait.ge [sflag:s13], $0x800  }
0x45: {  	[sflag:s13] =	ssyncset.done $0x0  }
0x46: {  	[sflag:s13] =	ssyncadd.s32 $0xFFFFF800  }
0x47: {  	[hbm4b:s14+s2] =	stream.linear.scatter [tilespmem:s8], [sflag:$0x4], $0x800, $0x38;
	[tilespmem:$0x1280] =	vst v63  }
0x48: {  	_ =	swait.ge [sflag:s15], $0x800  }
0x49: {  	[sflag:s15] =	ssyncset.done $0x0  }
0x4a: {  	[sflag:s15] =	ssyncadd.s32 $0xFFFFF800  }
0x4b: {  	[tilespmem:s8], [sflag:$0x2] =	stream.indirect.gather [hbm4b:s5+s6], $0x10, s16, s6, $0xb8;
	[tilespmem:$0x1280] =	vst v63  }
0x4c: {  	_ =	swait.ge [sflag:s9], $0x800  }
0x4d: {  	[sflag:s9] =	ssyncset.done $0x0  }
0x4e: {  	[sflag:s9] =	ssyncadd.s32 $0xFFFFF800  }
0x4f: {  	[hbm4b:s17+s2] =	stream.linear.scatter [tilespmem:s7], [sflag:$0x3], $0x800, $0x38;
	[tilespmem:$0x1280] =	vst v63  }
0x50: {  	_ =	swait.ge [sflag:s10], $0x800  }
0x51: {  	[sflag:s10] =	ssyncset.done $0x0  }
0x52: {  	[sflag:s10] =	ssyncadd.s32 $0xFFFFF800  }
0x53: {  	[tilespmem:s7], [sflag:$0x1] =	stream.indirect.gather [hbm4b:s5+s6], $0x10, s18, s6, $0xb8;
	[tilespmem:$0x1280] =	vst v63  }
0x54: {  	_ =	swait.ge [sflag:s13], $0x800  }
0x55: {  	[sflag:s13] =	ssyncset.done $0x0  }
0x56: {  	[sflag:s13] =	ssyncadd.s32 $0xFFFFF800  }
0x57: {  	[hbm4b:s19+s2] =	stream.linear.scatter [tilespmem:s8], [sflag:$0x4], $0x800, $0x38;
	[tilespmem:$0x1280] =	vst v63  }
0x58: {  	_ =	swait.ge [sflag:s9], $0x800  }
0x59: {  	[sflag:s9] =	ssyncset.done $0x0  }
0x5a: {  	[sflag:s9] =	ssyncadd.s32 $0xFFFFF800  }
0x5b: {  	[hbm4b:s20+s2] =	stream.linear.scatter [tilespmem:s7], [sflag:$0x3], $0x800, $0x38;
	[tilespmem:$0x1280] =	vst v63  }
.Ltmp1:
0x5c: {  	_ =	swait.ge [sflag:s15], $0x800;
	(pc) =	sbr.rel @p0 .LBB2_1-.Ltmp1, $4  }
0x5d: {  	[sflag:s15] =	ssyncset.done $0x0  }
0x5e: {  	[sflag:s15] =	ssyncadd.s32 $0xFFFFF800  }
0x5f: {  	_ =	swait.ge [sflag:s10], $0x800  }
0x60: {  	[sflag:s10] =	ssyncset.done $0x0  }
.LBB2_2:
0x61: {  	[sflag:s10] =	ssyncadd.s32 $0xFFFFF800  }
0x62: {  	_ =	sfence.sel $0x180000  }
0x63: {  	[bflag:$0x0] =	sbarrier.arrive $0xFFFF  }
0x64: {  	p0 =	sne.s32 s0, $0x0;
	_ =	strace $0x90000047  }
0x65: {  	s0 =	sadd.s32 @!p0 $0x100000, s1;
	[bflag:$0x2] =	sbarrier.arrive $0xFFFF  }
0x66: {  	[sflag:s0] =	ssyncadd.tile.s32 @!p0 $0x1;
	_ =	shalt  }
.Lfunc_end2:
_tile_overlayer_lowered:
.L_overlay_start_2:
0x67: {  	(tag) =	ssettag $0x2  }
0x68: {  	s0 =	rddreg [dreg:$0x0];
	s2 =	stileid.u32  }
0x69: {  	s1 =	rddreg [dreg:$0x1];
	p0 =	sne.s32 s2, $0x0  }
0x6a: {  	s3 =	rddreg [dreg:$0x2];
	[bflag:$0x3] =	sbarrier.arrive $0xFFFF;
	s2 =	simm.s32 @!p0 $0x1C05  }
0x6b: {  	[timem:s3], [sflag:s2] =	dma.local @!p0 [hbm:s0], s1  }
0x6c: {  	s0 =	simm.s32 @!p0 $0x5  }
0x6d: {  	_ =	swait.ge @!p0 [sflag:s0], s1  }
0x6e: {  	s1 =	ssub.s32 @!p0 $0x0, s1;
	[sflag:s0] =	ssyncset.done @!p0 $0x0  }
0x6f: {  	[sflag:s0] =	ssyncadd.s32 @!p0 s1  }
0x70: {  	[bflag:$0x3] =	sbarrier.arrive $0xFFFF  }
0x71: {  	_ =	shalt  }

</sc_bundles>
